<compile_context>
chip_gen: v7x
topology: tpu7x:2x2x1
jax: 0.10.2.dev20260603
libtpu: 0.0.44.dev20260713+nightly
codegen_flags: <defaults>
</compile_context>

<pallas_src>
import functools

import jax
import jax.numpy as jnp
from jax import lax
from jax.experimental import pallas as pl
from jax.experimental.pallas import tpu as pltpu
from jax.experimental.pallas import tpu_sc as plsc

N = 10000
M = 32
F_NODE = 128
F_EDGE = 16
F_OUT = 2 * F_NODE

SPLIT = 1
NSPL = N // SPLIT
ESPL = NSPL * M

NUM_CORES = 2
NUM_SUBCORES = 16
NW = NUM_CORES * NUM_SUBCORES
CHUNK = 80
NCH = -(-ESPL // (NW * CHUNK))
EPAD = NW * NCH * CHUNK
NBUF = 2


def _sc_gather(idx3, table):
    mesh = plsc.VectorSubcoreMesh(
        core_axis_name="c", subcore_axis_name="s",
        num_cores=NUM_CORES, num_subcores=NUM_SUBCORES)

    @functools.partial(
        pl.kernel,
        out_type=jax.ShapeDtypeStruct((EPAD, F_NODE), jnp.float32),
        mesh=mesh,
        scratch_types=[
            pltpu.VMEM((NCH, CHUNK), jnp.int32),
        ] + [pltpu.VMEM((CHUNK, F_NODE), jnp.float32)] * NBUF
          + [pltpu.SemaphoreType.DMA] * NBUF,
    )
    def gather_kernel(idx_hbm, table_hbm, out_hbm, idx_v, *bufs_sems):
        rows = bufs_sems[:NBUF]
        sems = bufs_sems[NBUF:]
        c = lax.axis_index("c")
        s = lax.axis_index("s")
        w = c * NUM_SUBCORES + s
        base_chunk = w * NCH

        pltpu.sync_copy(idx_hbm.at[w], idx_v)
        for p in range(NBUF):
            pltpu.async_copy(table_hbm.at[idx_v.at[p]], rows[p], sems[p])

        def body(i, carry):
            for p in range(NBUF):
                @pl.when(i % NBUF == p)
                def _(p=p):
                    pltpu.make_async_copy(
                        table_hbm.at[idx_v.at[i]], rows[p], sems[p]).wait()
                    pltpu.sync_copy(
                        rows[p],
                        out_hbm.at[pl.ds((base_chunk + i) * CHUNK, CHUNK)])

                    @pl.when(i + NBUF < NCH)
                    def _():
                        pltpu.async_copy(
                            table_hbm.at[idx_v.at[i + NBUF]],
                            rows[p], sems[p])

            return carry

        lax.fori_loop(0, NCH, body, 0)

    return gather_kernel(idx3, table)


BLOCK = 200


def _tc_body(x_ref, g_ref, e_ref, w_ref, b_ref, alpha_ref, o_ref):
    X = x_ref[...]
    Ws = w_ref[0:F_NODE, :]
    Wn = w_ref[F_NODE:2 * F_NODE, :]
    We = w_ref[2 * F_NODE:, :]
    S = jnp.dot(X, Ws, preferred_element_type=jnp.float32) + b_ref[...]
    G = g_ref[...]
    E = e_ref[...].reshape(BLOCK * M, F_EDGE)
    acc = jnp.dot(G, Wn, preferred_element_type=jnp.float32)
    acc = acc + jnp.dot(E, We, preferred_element_type=jnp.float32)
    gated = acc.reshape(BLOCK, M, F_OUT) + S[:, None, :]
    filt = jax.nn.sigmoid(gated[:, :, :F_NODE])
    pre = gated[:, :, F_NODE:]
    core = jnp.maximum(pre, 0.0) + jnp.log1p(jnp.exp(-jnp.abs(pre)))
    summed = jnp.sum(filt * core, axis=1)
    z = alpha_ref[0, 0] * X + summed
    o_ref[...] = jnp.maximum(z, 0.0) + jnp.log1p(jnp.exp(-jnp.abs(z)))


def _tc_compute(h, node_in_fea, G, edge_fea, W, b2, alpha2):
    off = h * (NSPL // BLOCK)
    return pl.pallas_call(
        _tc_body,
        grid=(NSPL // BLOCK,),
        in_specs=[
            pl.BlockSpec((BLOCK, F_NODE), lambda i: (i + off, 0)),
            pl.BlockSpec((BLOCK * M, F_NODE), lambda i: (i, 0)),
            pl.BlockSpec((BLOCK, M, F_EDGE), lambda i: (i + off, 0, 0)),
            pl.BlockSpec((2 * F_NODE + F_EDGE, F_OUT), lambda i: (0, 0)),
            pl.BlockSpec((1, F_OUT), lambda i: (0, 0)),
            pl.BlockSpec(memory_space=pltpu.SMEM),
        ],
        out_specs=pl.BlockSpec((BLOCK, F_NODE), lambda i: (i, 0)),
        out_shape=jax.ShapeDtypeStruct((NSPL, F_NODE), jnp.float32),
        compiler_params=pltpu.CompilerParams(
            dimension_semantics=("arbitrary",)),
    )(node_in_fea, G, edge_fea, W, b2, alpha2)


def kernel(node_in_fea, edge_fea, edge_fea_idx, W, b, alpha):
    b2 = b.reshape(1, F_OUT)
    alpha2 = jnp.asarray(alpha, jnp.float32).reshape(1, 1)
    outs = []
    Gs = []
    for h in range(SPLIT):
        idx_h = edge_fea_idx[h * NSPL:(h + 1) * NSPL].reshape(-1)
        idx_pad = jnp.pad(idx_h, (0, EPAD - ESPL))
        Gs.append(_sc_gather(
            idx_pad.reshape(NW, NCH, CHUNK), node_in_fea))
    for h in range(SPLIT):
        outs.append(
            _tc_compute(h, node_in_fea, Gs[h], edge_fea, W, b2, alpha2))
    return jnp.concatenate(outs, axis=0)

# --- scband reference (transcript-rebuilt; emitter-appended) ---
"""Pipeline reference for scband-ppo-34282428956970 (READ-ONLY COPY).

The authoritative reference and input builder live on the scoring server;
editing this copy changes nothing except your own understanding.
"""

import jax, jax.numpy as jnp
import numpy as np

N, M, F_NODE, F_EDGE = 10000, 32, 128, 16


def setup_inputs(seed: int = 0) -> dict:
    key = jax.random.key(seed)
    k1, k2, k3, k4 = jax.random.split(key, 4)
    node_in_fea = jax.random.normal(k1, (N, F_NODE), dtype=jnp.float32)
    edge_fea = jax.random.normal(k2, (N, M, F_EDGE), dtype=jnp.float32)
    edge_fea_idx = jax.random.randint(k3, (N, M), 0, N, dtype=jnp.int32)
    in_dim = 2 * F_NODE + F_EDGE
    out_dim = 2 * F_NODE
    # kaiming-uniform-like fan_in scaling for fc_full weight, zero bias
    W = jax.random.normal(k4, (in_dim, out_dim), dtype=jnp.float32) * np.float32(np.sqrt(2.0 / in_dim))
    b = jnp.zeros((out_dim,), dtype=jnp.float32)
    alpha = jnp.asarray(0.7, dtype=jnp.float32)
    return {
        'node_in_fea': node_in_fea,
        'edge_fea': edge_fea,
        'edge_fea_idx': edge_fea_idx,
        'W': W,
        'b': b,
        'alpha': alpha,
    }


def reference(node_in_fea, edge_fea, edge_fea_idx, W, b, alpha):
    Nn, Mm = edge_fea_idx.shape
    # gather neighbor node features (SparseCore-style gather)
    node_edge_fea = jnp.take(node_in_fea, edge_fea_idx, axis=0)  # (N, M, F_node)
    self_fea = jnp.broadcast_to(node_in_fea[:, None, :], (Nn, Mm, node_in_fea.shape[1]))
    total_nbr_fea = jnp.concatenate([self_fea, node_edge_fea, edge_fea], axis=2)
    total_gated_fea = total_nbr_fea @ W + b  # (N, M, 2*F_node)
    nbr_filter, nbr_core = jnp.split(total_gated_fea, 2, axis=2)
    nbr_filter = jax.nn.sigmoid(nbr_filter)
    nbr_core = jax.nn.softplus(nbr_core)
    mask = (edge_fea_idx >= 0).astype(jnp.float32)[:, :, None]
    nbr_filter = nbr_filter * mask
    nbr_core = nbr_core * mask
    nbr_sumed = jnp.sum(nbr_filter * nbr_core, axis=1)  # (N, F_node)
    out = jax.nn.softplus(alpha * node_in_fea + nbr_sumed)
    return out

if __name__ == "__main__":
    import jax
    _d = setup_inputs()
    print(jax.jit(kernel)(*tuple(_d.values())))

</pallas_src>

<mosaic_0001>
#map = affine_map<(d0, d1) -> (0, 0, 0)>
#map1 = affine_map<(d0, d1) -> (0, 0)>
module attributes {stable_mosaic.version = 14 : i64} {
  func.func @gather_kernel(%arg0: i32, %arg1: i32, %arg2: memref<32x125x80xi32, #tpu.memory_space<hbm>>, %arg3: memref<10000x128xf32, #tpu.memory_space<hbm>>, %arg4: memref<320000x128xf32, #tpu.memory_space<hbm>>, %arg5: memref<125x80xi32, #tpu.memory_space<vmem>>, %arg6: memref<80x128xf32, #tpu.memory_space<vmem>>, %arg7: memref<80x128xf32, #tpu.memory_space<vmem>>, %arg8: memref<!tpu.dma_semaphore, #tpu.memory_space<semaphore_mem>>, %arg9: memref<!tpu.dma_semaphore, #tpu.memory_space<semaphore_mem>>) attributes {dimension_semantics = [#tpu.dimension_semantics<core_parallel>, #tpu.dimension_semantics<subcore_parallel>], iteration_bounds = array<i64: 2, 16>, scalar_prefetch = 0 : i64, scratch_operands = 5 : i64, tpu.core_type = #tpu.core_type<sc_vector_subcore>, window_params = [{transform_indices = #map}, {transform_indices = #map1}, {transform_indices = #map1}]} {
    %mul3A = arith.constant 16 : i32
    %mul3A_0 = arith.muli %arg0, %mul3A : i32
    %add3A = arith.addi %mul3A_0, %arg1 : i32
    %mul3A_1 = arith.constant 125 : i32
    %mul3A_2 = arith.muli %add3A, %mul3A_1 : i32
    "tpu.region"() ({
      %run_scoped3A = tpu.sem_alloc : memref<!tpu.dma_semaphore, #tpu.memory_space<semaphore_mem>>
      %dma_start3A_21 = arith.constant 0 : i32
      %dma_start3A_22 = arith.constant 0 : i32
      %dma_start3A_23 = tpu.memref_slice %arg2[%add3A, %dma_start3A_21, %dma_start3A_22] : memref<32x125x80xi32, #tpu.memory_space<hbm>> -> memref<1x125x80xi32, #tpu.memory_space<hbm>>
      %dma_start3A_24 = tpu.memref_squeeze %dma_start3A_23 : memref<1x125x80xi32, #tpu.memory_space<hbm>> -> memref<125x80xi32, #tpu.memory_space<hbm>>
      %dma_start3A_25 = arith.constant 0 : i32
      %dma_start3A_26 = arith.constant 0 : i32
      %dma_start3A_27 = tpu.memref_slice %arg2[%add3A, %dma_start3A_25, %dma_start3A_26] : memref<32x125x80xi32, #tpu.memory_space<hbm>> -> memref<1x125x80xi32, #tpu.memory_space<hbm>>
      %dma_start3A_28 = tpu.memref_squeeze %dma_start3A_27 : memref<1x125x80xi32, #tpu.memory_space<hbm>> -> memref<125x80xi32, #tpu.memory_space<hbm>>
      tpu.enqueue_dma source(%dma_start3A_28 : memref<125x80xi32, #tpu.memory_space<hbm>>) target(%arg5 : memref<125x80xi32, #tpu.memory_space<vmem>>) target_semaphore(%run_scoped3A : memref<!tpu.dma_semaphore, #tpu.memory_space<semaphore_mem>>)
      %dma_wait3A = arith.constant 0 : i32
      %dma_wait3A_29 = arith.constant 0 : i32
      %dma_wait3A_30 = tpu.memref_slice %arg2[%add3A, %dma_wait3A, %dma_wait3A_29] : memref<32x125x80xi32, #tpu.memory_space<hbm>> -> memref<1x125x80xi32, #tpu.memory_space<hbm>>
      %dma_wait3A_31 = tpu.memref_squeeze %dma_wait3A_30 : memref<1x125x80xi32, #tpu.memory_space<hbm>> -> memref<125x80xi32, #tpu.memory_space<hbm>>
      %dma_wait3A_32 = arith.constant 0 : i32
      %dma_wait3A_33 = arith.constant 0 : i32
      %dma_wait3A_34 = tpu.memref_slice %arg2[%add3A, %dma_wait3A_32, %dma_wait3A_33] : memref<32x125x80xi32, #tpu.memory_space<hbm>> -> memref<1x125x80xi32, #tpu.memory_space<hbm>>
      %dma_wait3A_35 = tpu.memref_squeeze %dma_wait3A_34 : memref<1x125x80xi32, #tpu.memory_space<hbm>> -> memref<125x80xi32, #tpu.memory_space<hbm>>
      tpu.wait_dma2 semaphore(%run_scoped3A : memref<!tpu.dma_semaphore, #tpu.memory_space<semaphore_mem>>) src(%dma_wait3A_35 : memref<125x80xi32, #tpu.memory_space<hbm>>) dst(%arg5 : memref<125x80xi32, #tpu.memory_space<vmem>>)
      tpu.yield
    }) : () -> ()
    %dma_start3A = arith.constant 0 : i32
    %dma_start3A_3 = arith.constant 0 : i32
    %dma_start3A_4 = tpu.memref_slice %arg5[%dma_start3A, %dma_start3A_3] : memref<125x80xi32, #tpu.memory_space<vmem>> -> memref<1x80xi32, #tpu.memory_space<vmem>>
    %dma_start3A_5 = tpu.memref_squeeze %dma_start3A_4 : memref<1x80xi32, #tpu.memory_space<vmem>> -> memref<80xi32, #tpu.memory_space<vmem>>
    %dma_start3A_6 = arith.constant 0 : i32
    %dma_start3A_7 = arith.constant 0 : i32
    %dma_start3A_8 = tpu.memref_slice %arg3[%dma_start3A_6, %dma_start3A_7] : memref<10000x128xf32, #tpu.memory_space<hbm>> -> memref<10000x128xf32, #tpu.memory_space<hbm>>
    tpu.enqueue_indirect_dma source(%dma_start3A_8 : memref<10000x128xf32, #tpu.memory_space<hbm>>) target(%arg6 : memref<80x128xf32, #tpu.memory_space<vmem>>) offsets(%dma_start3A_5 : memref<80xi32, #tpu.memory_space<vmem>>) semaphore(%arg8 : memref<!tpu.dma_semaphore, #tpu.memory_space<semaphore_mem>>)
    %dma_start3A_9 = arith.constant 1 : i32
    %dma_start3A_10 = arith.constant 0 : i32
    %dma_start3A_11 = tpu.memref_slice %arg5[%dma_start3A_9, %dma_start3A_10] : memref<125x80xi32, #tpu.memory_space<vmem>> -> memref<1x80xi32, #tpu.memory_space<vmem>>
    %dma_start3A_12 = tpu.memref_squeeze %dma_start3A_11 : memref<1x80xi32, #tpu.memory_space<vmem>> -> memref<80xi32, #tpu.memory_space<vmem>>
    %dma_start3A_13 = arith.constant 0 : i32
    %dma_start3A_14 = arith.constant 0 : i32
    %dma_start3A_15 = tpu.memref_slice %arg3[%dma_start3A_13, %dma_start3A_14] : memref<10000x128xf32, #tpu.memory_space<hbm>> -> memref<10000x128xf32, #tpu.memory_space<hbm>>
    tpu.enqueue_indirect_dma source(%dma_start3A_15 : memref<10000x128xf32, #tpu.memory_space<hbm>>) target(%arg7 : memref<80x128xf32, #tpu.memory_space<vmem>>) offsets(%dma_start3A_12 : memref<80xi32, #tpu.memory_space<vmem>>) semaphore(%arg9 : memref<!tpu.dma_semaphore, #tpu.memory_space<semaphore_mem>>)
    %scan3A = arith.constant 0 : i32
    %scan3A_16 = arith.constant 0 : i32
    %scan3A_17 = arith.constant 125 : i32
    %scan3A_18 = arith.addi %scan3A_16, %scan3A_17 : i32
    %scan3A_19 = arith.constant 1 : i32
    scf.for %scan3A_21 = %scan3A_16 to %scan3A_18 step %scan3A_19  : i32 {
      %jit3A = arith.constant 2 : i32
      %eq3A = arith.constant 0 : i32
      %eq3A_22 = arith.cmpi eq, %jit3A, %eq3A : i32
      %jit3A_23 = arith.constant 1 : i32
      %select_n3A = arith.select %eq3A_22, %jit3A_23, %jit3A : i32
      %rem3A = arith.remsi %scan3A_21, %select_n3A : i32
      %ne3A = arith.constant 0 : i32
      %ne3A_24 = arith.cmpi ne, %rem3A, %ne3A : i32
      %lt3A = arith.constant 0 : i32
      %lt3A_25 = arith.cmpi slt, %rem3A, %lt3A : i32
      %lt3A_26 = arith.constant 0 : i32
      %lt3A_27 = arith.cmpi slt, %select_n3A, %lt3A_26 : i32
      %ne3A_28 = arith.xori %lt3A_25, %lt3A_27 : i1
      %and3A = arith.andi %ne3A_28, %ne3A_24 : i1
      %add3A_29 = arith.addi %rem3A, %select_n3A : i32
      %select_n3A_30 = arith.select %and3A, %add3A_29, %rem3A : i32
      %eq3A_31 = arith.constant 0 : i32
      %eq3A_32 = arith.cmpi eq, %select_n3A_30, %eq3A_31 : i32
      %convert_element_type3A = arith.extui %eq3A_32 : i1 to i32
      %cond3A = arith.constant 0 : i32
      %cond3A_33 = arith.cmpi ne, %convert_element_type3A, %cond3A : i32
      scf.if %cond3A_33 {
        %dma_wait3A = arith.constant 0 : i32
        %dma_wait3A_55 = tpu.memref_slice %arg5[%scan3A_21, %dma_wait3A] : memref<125x80xi32, #tpu.memory_space<vmem>> -> memref<1x80xi32, #tpu.memory_space<vmem>>
        %dma_wait3A_56 = tpu.memref_squeeze %dma_wait3A_55 : memref<1x80xi32, #tpu.memory_space<vmem>> -> memref<80xi32, #tpu.memory_space<vmem>>
        %dma_wait3A_57 = arith.constant 0 : i32
        %dma_wait3A_58 = arith.constant 0 : i32
        %dma_wait3A_59 = tpu.memref_slice %arg3[%dma_wait3A_57, %dma_wait3A_58] : memref<10000x128xf32, #tpu.memory_space<hbm>> -> memref<10000x128xf32, #tpu.memory_space<hbm>>
        tpu.wait_indirect_dma semaphore(%arg8 : memref<!tpu.dma_semaphore, #tpu.memory_space<semaphore_mem>>) src(%dma_wait3A_59 : memref<10000x128xf32, #tpu.memory_space<hbm>>) dst(%arg6 : memref<80x128xf32, #tpu.memory_space<vmem>>)
        %add3A_60 = arith.addi %mul3A_2, %scan3A_21 : i32
        %mul3A_61 = arith.constant 80 : i32
        %mul3A_62 = arith.muli %add3A_60, %mul3A_61 : i32
        "tpu.region"() ({
          %run_scoped3A = tpu.sem_alloc : memref<!tpu.dma_semaphore, #tpu.memory_space<semaphore_mem>>
          %dma_start3A_70 = arith.constant 0 : i32
          %dma_start3A_71 = tpu.memref_slice %arg4[%mul3A_62, %dma_start3A_70] : memref<320000x128xf32, #tpu.memory_space<hbm>> -> memref<80x128xf32, #tpu.memory_space<hbm>>
          %dma_start3A_72 = arith.constant 0 : i32
          %dma_start3A_73 = tpu.memref_slice %arg4[%mul3A_62, %dma_start3A_72] : memref<320000x128xf32, #tpu.memory_space<hbm>> -> memref<80x128xf32, #tpu.memory_space<hbm>>
          tpu.enqueue_dma source(%arg6 : memref<80x128xf32, #tpu.memory_space<vmem>>) target(%dma_start3A_73 : memref<80x128xf32, #tpu.memory_space<hbm>>) target_semaphore(%run_scoped3A : memref<!tpu.dma_semaphore, #tpu.memory_space<semaphore_mem>>)
          %dma_wait3A_74 = arith.constant 0 : i32
          %dma_wait3A_75 = tpu.memref_slice %arg4[%mul3A_62, %dma_wait3A_74] : memref<320000x128xf32, #tpu.memory_space<hbm>> -> memref<80x128xf32, #tpu.memory_space<hbm>>
          %dma_wait3A_76 = arith.constant 0 : i32
          %dma_wait3A_77 = tpu.memref_slice %arg4[%mul3A_62, %dma_wait3A_76] : memref<320000x128xf32, #tpu.memory_space<hbm>> -> memref<80x128xf32, #tpu.memory_space<hbm>>
          tpu.wait_dma2 semaphore(%run_scoped3A : memref<!tpu.dma_semaphore, #tpu.memory_space<semaphore_mem>>) src(%arg6 : memref<80x128xf32, #tpu.memory_space<vmem>>) dst(%dma_wait3A_77 : memref<80x128xf32, #tpu.memory_space<hbm>>)
          tpu.yield
        }) : () -> ()
        %add3A_63 = arith.constant 2 : i32
        %add3A_64 = arith.addi %scan3A_21, %add3A_63 : i32
        %lt3A_65 = arith.constant 125 : i32
        %lt3A_66 = arith.cmpi slt, %add3A_64, %lt3A_65 : i32
        %convert_element_type3A_67 = arith.extui %lt3A_66 : i1 to i32
        %cond3A_68 = arith.constant 0 : i32
        %cond3A_69 = arith.cmpi ne, %convert_element_type3A_67, %cond3A_68 : i32
        scf.if %cond3A_69 {
          %add3A_70 = arith.constant 2 : i32
          %add3A_71 = arith.addi %scan3A_21, %add3A_70 : i32
          %dma_start3A_72 = arith.constant 0 : i32
          %dma_start3A_73 = tpu.memref_slice %arg5[%add3A_71, %dma_start3A_72] : memref<125x80xi32, #tpu.memory_space<vmem>> -> memref<1x80xi32, #tpu.memory_space<vmem>>
          %dma_start3A_74 = tpu.memref_squeeze %dma_start3A_73 : memref<1x80xi32, #tpu.memory_space<vmem>> -> memref<80xi32, #tpu.memory_space<vmem>>
          %dma_start3A_75 = arith.constant 0 : i32
          %dma_start3A_76 = arith.constant 0 : i32
          %dma_start3A_77 = tpu.memref_slice %arg3[%dma_start3A_75, %dma_start3A_76] : memref<10000x128xf32, #tpu.memory_space<hbm>> -> memref<10000x128xf32, #tpu.memory_space<hbm>>
          tpu.enqueue_indirect_dma source(%dma_start3A_77 : memref<10000x128xf32, #tpu.memory_space<hbm>>) target(%arg6 : memref<80x128xf32, #tpu.memory_space<vmem>>) offsets(%dma_start3A_74 : memref<80xi32, #tpu.memory_space<vmem>>) semaphore(%arg8 : memref<!tpu.dma_semaphore, #tpu.memory_space<semaphore_mem>>)
        } else {
        }
      } else {
      }
      %jit3A_34 = arith.constant 2 : i32
      %eq3A_35 = arith.constant 0 : i32
      %eq3A_36 = arith.cmpi eq, %jit3A_34, %eq3A_35 : i32
      %jit3A_37 = arith.constant 1 : i32
      %select_n3A_38 = arith.select %eq3A_36, %jit3A_37, %jit3A_34 : i32
      %rem3A_39 = arith.remsi %scan3A_21, %select_n3A_38 : i32
      %ne3A_40 = arith.constant 0 : i32
      %ne3A_41 = arith.cmpi ne, %rem3A_39, %ne3A_40 : i32
      %lt3A_42 = arith.constant 0 : i32
      %lt3A_43 = arith.cmpi slt, %rem3A_39, %lt3A_42 : i32
      %lt3A_44 = arith.constant 0 : i32
      %lt3A_45 = arith.cmpi slt, %select_n3A_38, %lt3A_44 : i32
      %ne3A_46 = arith.xori %lt3A_43, %lt3A_45 : i1
      %and3A_47 = arith.andi %ne3A_46, %ne3A_41 : i1
      %add3A_48 = arith.addi %rem3A_39, %select_n3A_38 : i32
      %select_n3A_49 = arith.select %and3A_47, %add3A_48, %rem3A_39 : i32
      %eq3A_50 = arith.constant 1 : i32
      %eq3A_51 = arith.cmpi eq, %select_n3A_49, %eq3A_50 : i32
      %convert_element_type3A_52 = arith.extui %eq3A_51 : i1 to i32
      %cond3A_53 = arith.constant 0 : i32
      %cond3A_54 = arith.cmpi ne, %convert_element_type3A_52, %cond3A_53 : i32
      scf.if %cond3A_54 {
        %dma_wait3A = arith.constant 0 : i32
        %dma_wait3A_55 = tpu.memref_slice %arg5[%scan3A_21, %dma_wait3A] : memref<125x80xi32, #tpu.memory_space<vmem>> -> memref<1x80xi32, #tpu.memory_space<vmem>>
        %dma_wait3A_56 = tpu.memref_squeeze %dma_wait3A_55 : memref<1x80xi32, #tpu.memory_space<vmem>> -> memref<80xi32, #tpu.memory_space<vmem>>
        %dma_wait3A_57 = arith.constant 0 : i32
        %dma_wait3A_58 = arith.constant 0 : i32
        %dma_wait3A_59 = tpu.memref_slice %arg3[%dma_wait3A_57, %dma_wait3A_58] : memref<10000x128xf32, #tpu.memory_space<hbm>> -> memref<10000x128xf32, #tpu.memory_space<hbm>>
        tpu.wait_indirect_dma semaphore(%arg9 : memref<!tpu.dma_semaphore, #tpu.memory_space<semaphore_mem>>) src(%dma_wait3A_59 : memref<10000x128xf32, #tpu.memory_space<hbm>>) dst(%arg7 : memref<80x128xf32, #tpu.memory_space<vmem>>)
        %add3A_60 = arith.addi %mul3A_2, %scan3A_21 : i32
        %mul3A_61 = arith.constant 80 : i32
        %mul3A_62 = arith.muli %add3A_60, %mul3A_61 : i32
        "tpu.region"() ({
          %run_scoped3A = tpu.sem_alloc : memref<!tpu.dma_semaphore, #tpu.memory_space<semaphore_mem>>
          %dma_start3A_70 = arith.constant 0 : i32
          %dma_start3A_71 = tpu.memref_slice %arg4[%mul3A_62, %dma_start3A_70] : memref<320000x128xf32, #tpu.memory_space<hbm>> -> memref<80x128xf32, #tpu.memory_space<hbm>>
          %dma_start3A_72 = arith.constant 0 : i32
          %dma_start3A_73 = tpu.memref_slice %arg4[%mul3A_62, %dma_start3A_72] : memref<320000x128xf32, #tpu.memory_space<hbm>> -> memref<80x128xf32, #tpu.memory_space<hbm>>
          tpu.enqueue_dma source(%arg7 : memref<80x128xf32, #tpu.memory_space<vmem>>) target(%dma_start3A_73 : memref<80x128xf32, #tpu.memory_space<hbm>>) target_semaphore(%run_scoped3A : memref<!tpu.dma_semaphore, #tpu.memory_space<semaphore_mem>>)
          %dma_wait3A_74 = arith.constant 0 : i32
          %dma_wait3A_75 = tpu.memref_slice %arg4[%mul3A_62, %dma_wait3A_74] : memref<320000x128xf32, #tpu.memory_space<hbm>> -> memref<80x128xf32, #tpu.memory_space<hbm>>
          %dma_wait3A_76 = arith.constant 0 : i32
          %dma_wait3A_77 = tpu.memref_slice %arg4[%mul3A_62, %dma_wait3A_76] : memref<320000x128xf32, #tpu.memory_space<hbm>> -> memref<80x128xf32, #tpu.memory_space<hbm>>
          tpu.wait_dma2 semaphore(%run_scoped3A : memref<!tpu.dma_semaphore, #tpu.memory_space<semaphore_mem>>) src(%arg7 : memref<80x128xf32, #tpu.memory_space<vmem>>) dst(%dma_wait3A_77 : memref<80x128xf32, #tpu.memory_space<hbm>>)
          tpu.yield
        }) : () -> ()
        %add3A_63 = arith.constant 2 : i32
        %add3A_64 = arith.addi %scan3A_21, %add3A_63 : i32
        %lt3A_65 = arith.constant 125 : i32
        %lt3A_66 = arith.cmpi slt, %add3A_64, %lt3A_65 : i32
        %convert_element_type3A_67 = arith.extui %lt3A_66 : i1 to i32
        %cond3A_68 = arith.constant 0 : i32
        %cond3A_69 = arith.cmpi ne, %convert_element_type3A_67, %cond3A_68 : i32
        scf.if %cond3A_69 {
          %add3A_70 = arith.constant 2 : i32
          %add3A_71 = arith.addi %scan3A_21, %add3A_70 : i32
          %dma_start3A_72 = arith.constant 0 : i32
          %dma_start3A_73 = tpu.memref_slice %arg5[%add3A_71, %dma_start3A_72] : memref<125x80xi32, #tpu.memory_space<vmem>> -> memref<1x80xi32, #tpu.memory_space<vmem>>
          %dma_start3A_74 = tpu.memref_squeeze %dma_start3A_73 : memref<1x80xi32, #tpu.memory_space<vmem>> -> memref<80xi32, #tpu.memory_space<vmem>>
          %dma_start3A_75 = arith.constant 0 : i32
          %dma_start3A_76 = arith.constant 0 : i32
          %dma_start3A_77 = tpu.memref_slice %arg3[%dma_start3A_75, %dma_start3A_76] : memref<10000x128xf32, #tpu.memory_space<hbm>> -> memref<10000x128xf32, #tpu.memory_space<hbm>>
          tpu.enqueue_indirect_dma source(%dma_start3A_77 : memref<10000x128xf32, #tpu.memory_space<hbm>>) target(%arg7 : memref<80x128xf32, #tpu.memory_space<vmem>>) offsets(%dma_start3A_74 : memref<80xi32, #tpu.memory_space<vmem>>) semaphore(%arg9 : memref<!tpu.dma_semaphore, #tpu.memory_space<semaphore_mem>>)
        } else {
        }
      } else {
      }
    }
    %scan3A_20 = arith.constant 125 : i32
    return
  }
}

module attributes {stable_mosaic.version = 14 : i64} {
  func.func @_tc_body(%arg0: i32, %arg1: memref<200x128xf32, #tpu.memory_space<vmem>>, %arg2: memref<6400x128xf32, #tpu.memory_space<vmem>>, %arg3: memref<200x32x16xf32, #tpu.memory_space<vmem>>, %arg4: memref<272x256xf32, #tpu.memory_space<vmem>>, %arg5: memref<1x256xf32, #tpu.memory_space<vmem>>, %arg6: memref<1x1xf32, #tpu.memory_space<smem>>, %arg7: memref<200x128xf32, #tpu.memory_space<vmem>>) attributes {dimension_semantics = [#tpu.dimension_semantics<arbitrary>], iteration_bounds = array<i64: 50>, scalar_prefetch = 0 : i64, scratch_operands = 0 : i64, tpu.core_type = #tpu.core_type<tc>, window_params = [{transform_indices = @transform_0, window_bounds = array<i64: 200, 128>}, {transform_indices = @transform_1, window_bounds = array<i64: 6400, 128>}, {transform_indices = @transform_2, window_bounds = array<i64: 200, 32, 16>}, {pipeline_mode = #tpu.pipeline_mode<synchronous>, transform_indices = @transform_3, window_bounds = array<i64: 272, 256>}, {pipeline_mode = #tpu.pipeline_mode<synchronous>, transform_indices = @transform_4, window_bounds = array<i64: 1, 256>}, {transform_indices = @transform_5, window_bounds = array<i64: 1, 1>}, {transform_indices = @transform_6, window_bounds = array<i64: 200, 128>}]} {
    %get3A = arith.constant 0 : index
    %get3A_0 = arith.constant 0 : index
    %get3A_1 = vector.load %arg1[%get3A, %get3A_0] : memref<200x128xf32, #tpu.memory_space<vmem>>, vector<200x128xf32>
    %get3A_2 = arith.constant 0 : index
    %get3A_3 = arith.constant 0 : index
    %get3A_4 = vector.load %arg4[%get3A_2, %get3A_3] : memref<272x256xf32, #tpu.memory_space<vmem>>, vector<128x256xf32>
    %get3A_5 = arith.constant 128 : index
    %get3A_6 = arith.constant 0 : index
    %get3A_7 = vector.load %arg4[%get3A_5, %get3A_6] : memref<272x256xf32, #tpu.memory_space<vmem>>, vector<128x256xf32>
    %get3A_8 = arith.constant 256 : index
    %get3A_9 = arith.constant 0 : index
    %get3A_10 = vector.load %arg4[%get3A_8, %get3A_9] : memref<272x256xf32, #tpu.memory_space<vmem>>, vector<16x256xf32>
    %dot_general3A = arith.constant dense<0.000000e+00> : vector<200x256xf32>
    %dot_general3A_11 = tpu.matmul %get3A_1, %get3A_4, %dot_general3A {dimension_numbers = #tpu.dot_dimension_numbers<[1], [0], [0], [1], [0, 0, 1, 1], [], []>, transpose_lhs_hint = false} : vector<200x128xf32>, vector<128x256xf32>, vector<200x256xf32> -> vector<200x256xf32>
    %get3A_12 = arith.constant 0 : index
    %get3A_13 = arith.constant 0 : index
    %get3A_14 = vector.load %arg5[%get3A_12, %get3A_13] : memref<1x256xf32, #tpu.memory_space<vmem>>, vector<1x256xf32>
    %add3A = vector.broadcast %get3A_14 : vector<1x256xf32> to vector<200x256xf32>
    %add3A_15 = arith.addf %dot_general3A_11, %add3A : vector<200x256xf32>
    %get3A_16 = arith.constant 0 : index
    %get3A_17 = arith.constant 0 : index
    %get3A_18 = vector.load %arg2[%get3A_16, %get3A_17] : memref<6400x128xf32, #tpu.memory_space<vmem>>, vector<6400x128xf32>
    %get3A_19 = arith.constant 0 : index
    %get3A_20 = arith.constant 0 : index
    %get3A_21 = arith.constant 0 : index
    %get3A_22 = vector.load %arg3[%get3A_19, %get3A_20, %get3A_21] : memref<200x32x16xf32, #tpu.memory_space<vmem>>, vector<200x32x16xf32>
    %reshape3A = vector.shape_cast %get3A_22 : vector<200x32x16xf32> to vector<6400x16xf32>
    %dot_general3A_23 = arith.constant dense<0.000000e+00> : vector<6400x256xf32>
    %dot_general3A_24 = tpu.matmul %get3A_18, %get3A_7, %dot_general3A_23 {dimension_numbers = #tpu.dot_dimension_numbers<[1], [0], [0], [1], [0, 0, 1, 1], [], []>, transpose_lhs_hint = false} : vector<6400x128xf32>, vector<128x256xf32>, vector<6400x256xf32> -> vector<6400x256xf32>
    %dot_general3A_25 = arith.constant dense<0.000000e+00> : vector<6400x256xf32>
    %dot_general3A_26 = tpu.matmul %reshape3A, %get3A_10, %dot_general3A_25 {dimension_numbers = #tpu.dot_dimension_numbers<[1], [0], [0], [1], [0, 0, 1, 1], [], []>, transpose_lhs_hint = false} : vector<6400x16xf32>, vector<16x256xf32>, vector<6400x256xf32> -> vector<6400x256xf32>
    %add3A_27 = arith.addf %dot_general3A_24, %dot_general3A_26 : vector<6400x256xf32>
    %reshape3A_28 = vector.shape_cast %add3A_27 : vector<6400x256xf32> to vector<200x32x256xf32>
    %broadcast_in_dim3A = vector.shape_cast %add3A_15 : vector<200x256xf32> to vector<200x1x256xf32>
    %add3A_29 = vector.broadcast %broadcast_in_dim3A : vector<200x1x256xf32> to vector<200x32x256xf32>
    %add3A_30 = arith.addf %reshape3A_28, %add3A_29 : vector<200x32x256xf32>
    %slice3A = vector.extract_strided_slice %add3A_30 {offsets = [0, 0, 0], sizes = [200, 32, 128], strides = [1, 1, 1]} : vector<200x32x256xf32> to vector<200x32x128xf32>
    %logistic3A = arith.negf %slice3A : vector<200x32x128xf32>
    %logistic3A_31 = math.exp %logistic3A : vector<200x32x128xf32>
    %logistic3A_32 = arith.constant 1.000000e+00 : f32
    %logistic3A_33 = vector.broadcast %logistic3A_32 : f32 to vector<200x32x128xf32>
    %logistic3A_34 = arith.addf %logistic3A_33, %logistic3A_31 : vector<200x32x128xf32>
    %logistic3A_35 = arith.divf %logistic3A_33, %logistic3A_34 : vector<200x32x128xf32>
    %slice3A_36 = vector.extract_strided_slice %add3A_30 {offsets = [0, 0, 128], sizes = [200, 32, 128], strides = [1, 1, 1]} : vector<200x32x256xf32> to vector<200x32x128xf32>
    %max3A = arith.constant 0.000000e+00 : f32
    %max3A_37 = vector.broadcast %max3A : f32 to vector<200x32x128xf32>
    %max3A_38 = arith.maximumf %slice3A_36, %max3A_37 : vector<200x32x128xf32>
    %abs3A = math.absf %slice3A_36 : vector<200x32x128xf32>
    %neg3A = arith.constant 0.000000e+00 : f32
    %neg3A_39 = vector.broadcast %neg3A : f32 to vector<200x32x128xf32>
    %neg3A_40 = arith.subf %neg3A_39, %abs3A : vector<200x32x128xf32>
    %exp3A = math.exp %neg3A_40 : vector<200x32x128xf32>
    %log1p3A = math.log1p %exp3A : vector<200x32x128xf32>
    %add3A_41 = arith.addf %max3A_38, %log1p3A : vector<200x32x128xf32>
    %mul3A = arith.mulf %logistic3A_35, %add3A_41 : vector<200x32x128xf32>
    %reduce_sum3A = arith.constant dense<0.000000e+00> : vector<200x128xf32>
    %reduce_sum3A_42 = vector.multi_reduction <add>, %mul3A, %reduce_sum3A [1] : vector<200x32x128xf32> to vector<200x128xf32>
    %get3A_43 = arith.constant 0 : index
    %get3A_44 = arith.constant 0 : index
    %get3A_45 = memref.load %arg6[%get3A_43, %get3A_44] : memref<1x1xf32, #tpu.memory_space<smem>>
    %mul3A_46 = vector.broadcast %get3A_45 : f32 to vector<200x128xf32>
    %mul3A_47 = arith.mulf %mul3A_46, %get3A_1 : vector<200x128xf32>
    %add3A_48 = arith.addf %mul3A_47, %reduce_sum3A_42 : vector<200x128xf32>
    %max3A_49 = arith.constant 0.000000e+00 : f32
    %max3A_50 = vector.broadcast %max3A_49 : f32 to vector<200x128xf32>
    %max3A_51 = arith.maximumf %add3A_48, %max3A_50 : vector<200x128xf32>
    %abs3A_52 = math.absf %add3A_48 : vector<200x128xf32>
    %neg3A_53 = arith.constant 0.000000e+00 : f32
    %neg3A_54 = vector.broadcast %neg3A_53 : f32 to vector<200x128xf32>
    %neg3A_55 = arith.subf %neg3A_54, %abs3A_52 : vector<200x128xf32>
    %exp3A_56 = math.exp %neg3A_55 : vector<200x128xf32>
    %log1p3A_57 = math.log1p %exp3A_56 : vector<200x128xf32>
    %add3A_58 = arith.addf %max3A_51, %log1p3A_57 : vector<200x128xf32>
    %swap3A = arith.constant 0 : index
    %swap3A_59 = arith.constant 0 : index
    %swap3A_60 = vector.load %arg7[%swap3A, %swap3A_59] : memref<200x128xf32, #tpu.memory_space<vmem>>, vector<200x128xf32>
    tpu.vector_store %arg7[%swap3A, %swap3A_59], %add3A_58 {strides = array<i32>} : memref<200x128xf32, #tpu.memory_space<vmem>>, vector<200x128xf32>,
    return
  }
  func.func @transform_0(%arg0: i32) -> (i32, i32) {
    %add3A = arith.constant 0 : i32
    %add3A_0 = arith.addi %arg0, %add3A : i32
    %c0_i32 = arith.constant 0 : i32
    %c0_i32_1 = arith.constant 0 : i32
    return %add3A_0, %c0_i32 : i32, i32
  }
  func.func @transform_1(%arg0: i32) -> (i32, i32) {
    %c0_i32 = arith.constant 0 : i32
    %c0_i32_0 = arith.constant 0 : i32
    return %arg0, %c0_i32 : i32, i32
  }
  func.func @transform_2(%arg0: i32) -> (i32, i32, i32) {
    %add3A = arith.constant 0 : i32
    %add3A_0 = arith.addi %arg0, %add3A : i32
    %c0_i32 = arith.constant 0 : i32
    %c0_i32_1 = arith.constant 0 : i32
    %c0_i32_2 = arith.constant 0 : i32
    return %add3A_0, %c0_i32, %c0_i32_1 : i32, i32, i32
  }
  func.func @transform_3(%arg0: i32) -> (i32, i32) {
    %c0_i32 = arith.constant 0 : i32
    %c0_i32_0 = arith.constant 0 : i32
    %c0_i32_1 = arith.constant 0 : i32
    return %c0_i32, %c0_i32_0 : i32, i32
  }
  func.func @transform_4(%arg0: i32) -> (i32, i32) {
    %c0_i32 = arith.constant 0 : i32
    %c0_i32_0 = arith.constant 0 : i32
    %c0_i32_1 = arith.constant 0 : i32
    return %c0_i32, %c0_i32_0 : i32, i32
  }
  func.func @transform_5(%arg0: i32) -> (i32, i32) {
    %c0_i32 = arith.constant 0 : i32
    %c0_i32_0 = arith.constant 0 : i32
    %c0_i32_1 = arith.constant 0 : i32
    return %c0_i32, %c0_i32_0 : i32, i32
  }
  func.func @transform_6(%arg0: i32) -> (i32, i32) {
    %c0_i32 = arith.constant 0 : i32
    %c0_i32_0 = arith.constant 0 : i32
    return %arg0, %c0_i32 : i32, i32
  }
}

</mosaic_0001>

<sc_bundles>
// kernel: kernel.4.cloned.1.call-start
scs
__scs_entry_jumppad:
0x0: {  	(pc) =	sbr.rel $0x88, $3  }
0x1: {  	(tag) =	ssettag $0x0;
	lr =	simm.s32 $0x1  }
0x2: {  	[smem:$0x3F9B] =	sst lr;
	_ =	strace $0xD0000000  }
0x3: {  	_ = 	snop  }
0x4: {  	_ = 	snop  }
0x5: {  	_ = 	snop  }
0x6: {  	_ = 	snop  }
0x7: {  	_ = 	snop  }
__scs_overlays_trampoline_lowered:
0x8: {  	[smem:$0x3FAA] =	sst s0  }
0x9: {  	[smem:$0x3FAB] =	sst s1  }
0xa: {  	[smem:$0x3FAC] =	sst s2  }
0xb: {  	[smem:$0x3FAD] =	sst s3  }
0xc: {  	[smem:$0x3FAE] =	sst s4  }
0xd: {  	[smem:$0x3FAF] =	sst s5  }
0xe: {  	[smem:$0x3FB0] =	sst s6  }
0xf: {  	[smem:$0x3FB1] =	sst s7  }
0x10: {  	[smem:$0x3FB2] =	sst s8  }
0x11: {  	[smem:$0x3FB3] =	sst s9;
	s0 =	simm.s32 @!p0 $0x0  }
0x12: {  	s1 =	sld [smem:$0x3F99];
	s0 =	simm.s32 @p0 $0x1  }
0x13: {  	[smem:$0x3FB4] =	sst s0;
	s0 =	simm.s32 @!p1 $0x0  }
0x14: {  	s2 =	sld [smem:$0x3F98];
	s0 =	simm.s32 @p1 $0x1  }
0x15: {  	[smem:$0x3FB5] =	sst s0;
	s0 =	simm.s32 @!p2 $0x0  }
0x16: {  	s3 =	sld [smem:$0x3FDB];
	s0 =	simm.s32 @p2 $0x1  }
0x17: {  	s4 =	simm.s32 $0x1BF5;
	[smem:$0x3FB7] =	sst s0  }
0x18: {  	s0 =	sld [smem:$0x3F9A];
	_ =	swait.ge [sflag:s4], $0x0  }
0x19: {  	s7 =	sld [smem:$0x3F9B]  }
0x1a: {  	s8 =	sadd.s32 $0xFFFFE003, lr  }
0x1b: {  	s9 =	sadd.s32 $0xFFFFFEF7, lr;
	s5 =	simm.s32 $0xFFFFFFFF;
	p2 =	slt.u32 s8, $0xFFFFF086  }
0x1c: {  	p1 =	slt.u32 s9, $0xF7A;
	s5 =	simm.s32 @!p2 $0x0  }
0x1d: {  	s5 =	simm.s32 @p1 $0x1;
	p0 =	seq.s32 s7, s2  }
0x1e: {  	s7 =	smul.u32 @!p0 $0xF7A, s2;
	p2 =	seq.s32 @!p0 s5, $0x0  }
0x1f: {  	s9 =	smul.u32 $0xF7A, s1;
	s8 =	simm.s32 @!p0 $0x1BF5;
	p2 =	por !p2, p0  }
0x20: {  	[sflag:s8] =	ssyncset.s32 @!p0 $0xFFFFF086;
	s6 =	sadd.s32 @!p0 s3, s7;
	s7 =	simm.s32 @!p0 $0x108  }
0x21: {  	s3 =	sadd.s32 s3, s9;
	s6 =	sadd.s32 @!p0 $0x88, s6;
	s7 =	simm.s32 @p2 $0x1082  }
0x22: {  	[simem:s7], [sflag:s8] =	dma.local @!p0 [hbm:s6], $0xF7A  }
0x23: {  	s9 =	sor.u32 $0xD0000000, s2;
	s6 =	simm.s32 $0x108;
	_ =	swait.ge @!p0 [sflag:s8], $0x0  }
0x24: {  	s3 =	sadd.s32 $0x88, s3;
	s6 =	simm.s32 @!p1 $0x1082;
	[sflag:s4] =	ssyncset.s32 $0xFFFFF086  }
0x25: {  	[simem:s6], [sflag:s4] =	dma.local [hbm:s3], $0xF7A  }
0x26: {  	[smem:$0x3F9B] =	sst s1;
	(tag) =	ssettag s2;
	_ =	strace s9  }
0x27: {  	s1 =	sld [smem:$0x3FAB]  }
0x28: {  	s2 =	sld [smem:$0x3FAC]  }
0x29: {  	s4 =	sld [smem:$0x3FAE]  }
0x2a: {  	p0 =	seq.s32 s5, $0x0;
	s5 =	sld [smem:$0x3FAF]  }
0x2b: {  	s6 =	sld [smem:$0x3FB0]  }
0x2c: {  	s7 =	sld [smem:$0x3FB1]  }
0x2d: {  	s3 =	simm.s32 $0x108;
	s8 =	sld [smem:$0x3FB2]  }
0x2e: {  	s3 =	simm.s32 @!p0 $0x1082;
	s9 =	sld [smem:$0x3FB3]  }
0x2f: {  	lr =	sadd.s32 s0, s3;
	s0 =	sld [smem:$0x3FAA]  }
0x30: {  	s3 =	sld [smem:$0x3FAD]  }
0x31: {  	[smem:$0x3FB6] =	sst s10  }
0x32: {  	s10 =	sld [smem:$0x3FB4];
	_ =	sdelay $0x3  }
0x33: {  	p0 =	seq.s32 s10, $0x1;
	s10 =	sld [smem:$0x3FB6];
	_ =	sdelay $0x3  }
0x34: {  	[smem:$0x3FB6] =	sst s10  }
0x35: {  	s10 =	sld [smem:$0x3FB5];
	_ =	sdelay $0x3  }
0x36: {  	p1 =	seq.s32 s10, $0x1;
	s10 =	sld [smem:$0x3FB6];
	_ =	sdelay $0x3  }
0x37: {  	[smem:$0x3FB6] =	sst s10  }
0x38: {  	s10 =	sld [smem:$0x3FB7]  }
0x39: {  	_ = 	snop;
	(pc) =	sbr.ind lr, $3  }
0x3a: {  	_ = 	snop  }
0x3b: {  	_ = 	snop  }
0x3c: {  	p2 =	seq.s32 s10, $0x1;
	s10 =	sld [smem:$0x3FB6]  }
0x3d: {  	_ =	shalt  }
0x3e: {  	_ =	shalt  }
0x3f: {  	_ =	shalt  }
0x40: {  	_ =	shalt  }
0x41: {  	_ =	shalt  }
0x42: {  	_ =	shalt  }
0x43: {  	_ =	shalt  }
0x44: {  	_ =	shalt  }
0x45: {  	_ =	shalt  }
0x46: {  	_ =	shalt  }
0x47: {  	_ =	shalt  }
0x48: {  	_ =	shalt  }
0x49: {  	_ =	shalt  }
0x4a: {  	_ =	shalt  }
0x4b: {  	_ =	shalt  }
0x4c: {  	_ =	shalt  }
0x4d: {  	_ =	shalt  }
0x4e: {  	_ =	shalt  }
0x4f: {  	_ =	shalt  }
0x50: {  	_ =	shalt  }
0x51: {  	_ =	shalt  }
0x52: {  	_ =	shalt  }
0x53: {  	_ =	shalt  }
0x54: {  	_ =	shalt  }
0x55: {  	_ =	shalt  }
0x56: {  	_ =	shalt  }
0x57: {  	_ =	shalt  }
0x58: {  	_ =	shalt  }
0x59: {  	_ =	shalt  }
0x5a: {  	_ =	shalt  }
0x5b: {  	_ =	shalt  }
0x5c: {  	_ =	shalt  }
0x5d: {  	_ =	shalt  }
0x5e: {  	_ =	shalt  }
0x5f: {  	_ =	shalt  }
0x60: {  	_ =	shalt  }
0x61: {  	_ =	shalt  }
0x62: {  	_ =	shalt  }
0x63: {  	_ =	shalt  }
0x64: {  	_ =	shalt  }
0x65: {  	_ =	shalt  }
0x66: {  	_ =	shalt  }
0x67: {  	_ =	shalt  }
0x68: {  	_ =	shalt  }
0x69: {  	_ =	shalt  }
0x6a: {  	_ =	shalt  }
0x6b: {  	_ =	shalt  }
0x6c: {  	_ =	shalt  }
0x6d: {  	_ =	shalt  }
0x6e: {  	_ =	shalt  }
0x6f: {  	_ =	shalt  }
0x70: {  	_ =	shalt  }
0x71: {  	_ =	shalt  }
0x72: {  	_ =	shalt  }
0x73: {  	_ =	shalt  }
0x74: {  	_ =	shalt  }
0x75: {  	_ =	shalt  }
0x76: {  	_ =	shalt  }
0x77: {  	_ =	shalt  }
0x78: {  	_ =	shalt  }
0x79: {  	_ =	shalt  }
0x7a: {  	_ =	shalt  }
0x7b: {  	_ =	shalt  }
0x7c: {  	_ =	shalt  }
0x7d: {  	_ =	shalt  }
0x7e: {  	_ =	shalt  }
0x7f: {  	_ =	shalt  }
0x80: {  	_ =	shalt  }
0x81: {  	_ =	shalt  }
0x82: {  	_ =	shalt  }
0x83: {  	_ =	shalt  }
0x84: {  	_ =	shalt  }
0x85: {  	_ =	shalt  }
0x86: {  	_ =	shalt  }
0x87: {  	_ =	shalt  }
.Lfunc_end0:
.L_simem_size_0:
called_computation_lowered:
.L_overlay_start_0:
0x88: {  	s2 =	sld [smem:$0x3FD9]  }
0x89: {  	s3 =	sld [smem:$0x3FFE];
	_ =	sdelay $0x1  }
0x8a: {  	s1 =	srdreg.scid  }
0x8b: {  	s0 =	sand.u32 $0x1, s1  }
0x8c: {  	s17 =	sshll.u32 s0, $0xA;
	s2 =	sadd.s32 s3, s2  }
0x8d: {  	s2 =	sadd.s32 s2, s17  }
0x8e: {  	[smem:$0x3FC2] =	sst s2  }
0x8f: {  	_ = 	snop  }
0x90: {  	s2 =	sld [smem:$0x3FC9]  }
0x91: {  	s18 =	sld [smem:$0x3FD0];
	(tm) =	ssettm $0x1  }
0x92: {  	s4 =	sld [smem:$0x3FFB];
	_ =	sdelay $0x3  }
0x93: {  	_ =	strace s4  }
0x94: {  	s4 =	sld [smem:$0x3FFC];
	_ =	sdelay $0x3  }
0x95: {  	_ =	strace s4  }
0x96: {  	s4 =	sld [smem:$0x3FFD];
	_ =	sdelay $0x3  }
0x97: {  	_ =	strace s4  }
0x98: {  	_ =	strace $0x8FFFFFFF  }
0x99: {  	s19 =	sld [smem:$0x3FDB];
	_ =	sdelay $0x1  }
0x9a: {  	s5 =	simm.s32 $_scs_section_size  }
0x9b: {  	s6 =	simm.s32 $_size__tile_overlayer_lowered;
	s7 =	simm.s32 $_tile_overlayer_lowered  }
0x9c: {  	s22 =	simm.s32 $0x1BFF;
	s21 =	sshll.u32 s7, $0x1;
	s4 =	sadd.s32 s5, s19  }
0x9d: {  	s8 =	simm.s32 $0x0;
	s20 =	sshll.u32 s6, $0x1;
	s6 =	sadd.s32 s21, s4  }
0x9e: {  	[timem:s8], [sflag:s22] =	dma.local [hbm:s6], s20  }
0x9f: {  	_ =	swait.ge [sflag:s22], s20  }
0xa0: {  	s5 =	ssub.s32 $0x0, s20;
	[sflag:s22] =	ssyncset.done $0x0  }
0xa1: {  	[sflag:s22] =	ssyncadd.s32 s5;
	_ =	sdelay $0x1  }
0xa2: {  	s23 =	simm.s32 $0x1B8B  }
0xa3: {  	_ =	swait.ge [sflag:s23], $0x1  }
0xa4: {  	[sflag:s23] =	ssyncset.done $0x0  }
0xa5: {  	s25 =	simm.s32 $0x1B8E;
	s24 =	sld [smem:$0x3FFE];
	[sflag:s23] =	ssyncadd.s32 $0xFFFFFFFF  }
0xa6: {  	s26 =	simm.s32 $execute0_lowered;
	[smem:$0x3FD2] =	sst s25  }
0xa7: {  	s6 =	sshll.u32 s26, $0x1;
	_ =	strace $0x80000046;
	[dreg:$0x1] =	wrdreg $0xFFFFFFFF  }
0xa8: {  	s28 =	simm.s32 $_size_execute0_lowered;
	s4 =	sadd.s32 s4, s6;
	[dreg:$0x0] =	wrdreg $0x0  }
0xa9: {  	s6 =	sshll.u32 s28, $0x1;
	[dreg:$0x2] =	wrdreg s4  }
0xaa: {  	[dreg:$0x3] =	wrdreg s6  }
0xab: {  	[dreg:$0x4] =	wrdreg $0xC0  }
0xac: {  	_ =	task [dreg:s8], $0x5FFFF  }
0xad: {  	[dreg:$0x1] =	wrdreg $0xFFFFFFFF  }
0xae: {  	[dreg:$0x0] =	wrdreg $0x60  }
0xaf: {  	[dreg:$0x2] =	wrdreg s18  }
0xb0: {  	[dreg:$0x3] =	wrdreg s2  }
0xb1: {  	[dreg:$0x4] =	wrdreg s24  }
0xb2: {  	[dreg:$0x5] =	wrdreg $0x9  }
0xb3: {  	_ =	task.clear_ibuf [dreg:s8], $0x6FFFF;
	_ =	strace $0x90000046  }
0xb4: {  	s29 =	simm.s32 $0x9;
	_ =	strace $0x80000048  }
0xb5: {  	_ =	swait.ge [sflag:s29], $0x1  }
0xb6: {  	[sflag:s29] =	ssyncadd.s32 $0xFFFFFFFF  }
0xb7: {  	_ =	strace $0x90000048  }
0xb8: {  	_ =	sfence  }
0xb9: {  	s30 =	sld [smem:$0x0];
	_ =	sdelay $0x2  }
0xba: {  	s31 =	sshll.u32 s1, $0xD;
	s1 =	sshrl.u32 s1, $0x2  }
0xbb: {  	s3 =	sand.u32 $0x4000, s31;
	s1 =	sadd.s32 s1, s30  }
0xbc: {  	s0 =	sor.u32 s3, s0;
	s1 =	sshll.u32 s1, $0x11  }
0xbd: {  	s0 =	sor.u32 s1, s0  }
0xbe: {  	s0 =	sadd.s32 $0x8F2B, s0  }
0xbf: {  	[sflag:s0] =	ssyncadd.remote.s32 $0x1  }
0xc0: {  	_ =	sfence.sel $0xFFFF  }
0xc1: {  	[dreg:$0x0] =	wrdreg $0xFFFFFFFF;
	(pc) =	sbr.abs _section_cstart, $3  }
0xc2: {  	[dreg:$0x1] =	wrdreg $0xFFFFFFFF  }
0xc3: {  	_ =	task.clear_ibuf [dreg:s8], $0x2FFFF;
	_ =	strace $0x9FFFFFFF  }
0xc4: {  	(tm) =	ssettm $0x7FFFFFFF  }
0xc5: {  	_ =	shalt  }
tec
execute0_lowered:
.L_overlay_start_1:
0x0: {  	(tag) =	ssettag $0x1  }
0x1: {  	s6 =	rddreg [dreg:$0x0]  }
0x2: {  	s1 =	rddreg [dreg:$0x1]  }
0x3: {  	s3 =	rddreg [dreg:$0x2]  }
0x4: {  	s0 =	rddreg [dreg:$0x3];
	s2 =	simm.s32 $0x0  }
0x5: {  	s5 =	srdreg.scid;
	s12 =	simm.s32 $0x80;
	s13 =	simm.s32 $0x6800  }
0x6: {  	s14 =	simm.s32 $0x2;
	s15 =	simm.s32 $0x0;
	[smem:$0x7FF] =	sst s2  }
0x7: {  	s4 =	sadd.s32 $0xA00, s3;
	s5 =	sand.u32 $0x1, s5;
	s3 =	stileid.u32  }
0x8: {  	_ =	strace $0x80000047;
	s7 =	ssub.s32 $0x2, s5;
	s10 =	smul.u32 $0x271000, s5  }
.Ltmp0:
0x9: {  	s8 =	sshll.u32 s5, $0x4;
	s9 =	sshrl.u32 s7, $0x1;
	(pc) =	sbr.rel .LBB2_1-.Ltmp0, $4  }
0xa: {  	s11 =	smul.u32 $0x27100, s3;
	s8 =	sor.u32 s3, s8;
	s7 =	ssub.s32 s7, s9  }
0xb: {  	s30 =	sshll.u32 s8, $0xB;
	s5 =	smul.u32 $0x7D, s8;
	s31 =	sadd.s32 s10, s4  }
0xc: {  	s9 =	simm.s32 $0x3;
	s10 =	simm.s32 $0x50;
	s6 =	sadd.s32 s6, s30  }
0xd: {  	s7 =	smax.u32 s7, $0x1;
	s8 =	sadd.s32 s11, s31;
	s11 =	simm.s32 $0x4000  }
.LBB2_5:
0xe: {  	s15 =	sadd.s32 $0x1, s15  }
0xf: {  	p0 =	sne.s32 s15, s7  }
.Ltmp1:
0x10: {  	_ = 	snop;
	(pc) =	sbr.rel @!p0 .LBB2_6-.Ltmp1, $1  }
0x11: {  	_ =	sdelay $0x3  }
.LBB2_1:
0x12: {  	[tilespmem:s2], [sflag:$0x3] =	stream.linear.gather [hbm4b:s6+s2], $0x3E80, $0x38;
	[tilespmem:$0x9000] =	vst v63  }
0x13: {  	_ =	swait.ge [sflag:s9], $0x3E80  }
.Ltmp2:
0x14: {  	[sflag:s9] =	ssyncset.done $0x0;
	(pc) =	sbr.rel .LBB2_2-.Ltmp2, $4  }
0x15: {  	[sflag:s9] =	ssyncadd.s32 $0xFFFFC180  }
0x16: {  	[tilespmem:s11], [sflag:$0x1] =	stream.indirect.gather [hbm4b:s1+s10], $0x80, s2, s10, $0xb8;
	[tilespmem:$0x9000] =	vst v63  }
0x17: {  	s16 =	simm.s32 $0x100;
	s17 =	smov.u32 s8;
	s18 =	simm.s32 $0x0  }
0x18: {  	[tilespmem:s13], [sflag:$0x2] =	stream.indirect.gather [hbm4b:s1+s10], $0x80, s12, s10, $0xb8;
	[tilespmem:$0x9000] =	vst v63  }
.LBB2_4:
0x19: {  	s18 =	sadd.s32 $0x1, s18  }
0x1a: {  	p0 =	sne.s32 s18, $0x7D  }
.Ltmp3:
0x1b: {  	_ = 	snop;
	(pc) =	sbr.rel @!p0 .LBB2_5-.Ltmp3, $2  }
0x1c: {  	_ =	sdelay $0x2  }
0x1d: {  	s16 =	sadd.s32 $0x80, s16;
	s17 =	sadd.s32 $0x500, s17  }
.LBB2_2:
0x1e: {  	s19 =	sand.u32 $0x1, s18  }
0x1f: {  	p0 =	seq.s32 s19, $0x1  }
0x20: {  	s20 =	simm.s32 @!p0 $0x1  }
0x21: {  	_ =	swait.ge @!p0 [sflag:s20], $0x2800  }
0x22: {  	[sflag:s20] =	ssyncset.done @!p0 $0x0  }
0x23: {  	s21 =	simm.s32 @!p0 $0x4000;
	[sflag:s20] =	ssyncadd.s32 @!p0 $0xFFFFD800;
	s20 =	simm.s32 @!p0 $0x0  }
0x24: {  	[hbm4b:s17+s20] =	stream.linear.scatter @!p0 [tilespmem:s21], [sflag:$0x3], $0x2800, $0x38;
	[tilespmem:$0x9000] =	vst v63  }
0x25: {  	s20 =	simm.s32 @!p0 $0x3  }
0x26: {  	p1 =	sgt.u32 @!p0 s18, $0x7A;
	_ =	swait.ge @!p0 [sflag:s20], $0x2800  }
0x27: {  	p1 =	por p1, p0;
	[sflag:s20] =	ssyncset.done @!p0 $0x0  }
0x28: {  	s21 =	simm.s32 @!p1 $0x4000;
	[sflag:s20] =	ssyncadd.s32 @!p0 $0xFFFFD800;
	s20 =	simm.s32 @!p1 $0x50  }
0x29: {  	[tilespmem:s21], [sflag:$0x1] =	stream.indirect.gather @!p1 [hbm4b:s1+s20], $0x80, s16, s20, $0xb8;
	[tilespmem:$0x9000] =	vst v63  }
0x2a: {  	p1 =	seq.s32 @!p0 s19, $0x0  }
0x2b: {  	p1 =	por p0, !p1  }
.Ltmp4:
0x2c: {  	_ = 	snop;
	(pc) =	sbr.rel @!p1 .LBB2_4-.Ltmp4, $1  }
0x2d: {  	_ =	sdelay $0x3  }
0x2e: {  	s19 =	sadd.s32 @!p0 s5, s18  }
0x2f: {  	s19 =	smul.u32 @!p0 $0x500, s19  }
0x30: {  	_ =	swait.ge [sflag:s14], $0x2800  }
0x31: {  	[sflag:s14] =	ssyncset.done $0x0;
	s19 =	sadd.s32 @!p0 s4, s19  }
0x32: {  	[sflag:s14] =	ssyncadd.s32 $0xFFFFD800;
	s19 =	smov.u32 @p0 s17  }
0x33: {  	[hbm4b:s19+s2] =	stream.linear.scatter [tilespmem:s13], [sflag:$0x3], $0x2800, $0x38;
	[tilespmem:$0x9000] =	vst v63  }
.Ltmp5:
0x34: {  	_ = 	snop;
	(pc) =	sbr.rel .LBB2_4-.Ltmp5, $4  }
0x35: {  	_ =	swait.ge [sflag:s9], $0x2800  }
0x36: {  	p0 =	sgt.u32 s18, $0x7A;
	[sflag:s9] =	ssyncset.done $0x0  }
0x37: {  	s19 =	simm.s32 @!p0 $0x50;
	s20 =	simm.s32 @!p0 $0x6800;
	[sflag:s9] =	ssyncadd.s32 $0xFFFFD800  }
0x38: {  	[tilespmem:s20], [sflag:$0x2] =	stream.indirect.gather @!p0 [hbm4b:s1+s19], $0x80, s16, s19, $0xb8;
	[tilespmem:$0x9000] =	vst v63  }
.LBB2_6:
0x39: {  	_ =	sfence.sel $0x180000  }
0x3a: {  	[bflag:$0x0] =	sbarrier.arrive $0xFFFF  }
0x3b: {  	p0 =	sne.s32 s3, $0x0;
	_ =	strace $0x90000047  }
0x3c: {  	s0 =	sadd.s32 @!p0 $0x100000, s0;
	[bflag:$0x2] =	sbarrier.arrive $0xFFFF  }
0x3d: {  	[sflag:s0] =	ssyncadd.tile.s32 @!p0 $0x1;
	_ =	shalt  }
.Lfunc_end2:
_tile_overlayer_lowered:
.L_overlay_start_2:
0x3e: {  	(tag) =	ssettag $0x2  }
0x3f: {  	s0 =	rddreg [dreg:$0x0];
	s2 =	stileid.u32  }
0x40: {  	s1 =	rddreg [dreg:$0x1];
	p0 =	sne.s32 s2, $0x0  }
0x41: {  	s3 =	rddreg [dreg:$0x2];
	[bflag:$0x3] =	sbarrier.arrive $0xFFFF;
	s2 =	simm.s32 @!p0 $0x1C03  }
0x42: {  	[timem:s3], [sflag:s2] =	dma.local @!p0 [hbm:s0], s1  }
0x43: {  	s0 =	simm.s32 @!p0 $0x3  }
0x44: {  	_ =	swait.ge @!p0 [sflag:s0], s1  }
0x45: {  	s1 =	ssub.s32 @!p0 $0x0, s1;
	[sflag:s0] =	ssyncset.done @!p0 $0x0  }
0x46: {  	[sflag:s0] =	ssyncadd.s32 @!p0 s1  }
0x47: {  	[bflag:$0x3] =	sbarrier.arrive $0xFFFF  }
0x48: {  	_ =	shalt  }

</sc_bundles>
